<compile_context>
chip_gen: v7x
topology: tpu7x:2x2x1
jax: 0.10.2.dev20260603
libtpu: 0.0.44.dev20260713+nightly
codegen_flags: <defaults>
</compile_context>

<pallas_src>
import jax
import jax.numpy as jnp
from jax import lax
from jax.experimental import pallas as pl
from jax.experimental.pallas import tpu as pltpu
from jax.experimental.pallas import tpu_sc as plsc

_VOCAB = 16
_HIDDEN = 128
_BLK = 16384

_NW = 32
_K = 2
_ROWS_PER_W = 200
_NCHUNK = _ROWS_PER_W // _K
_NREP = 64


def _tc_kernel(ids_ref, emb_ref, out_ref):
    ids = ids_ref[...]
    iota = lax.broadcasted_iota(jnp.int32, (1, _VOCAB), 1)
    one_hot = (ids == iota).astype(jnp.float32)
    out_ref[...] = lax.dot_general(
        one_hot, emb_ref[...],
        (((1,), (0,)), ((), ())),
        preferred_element_type=jnp.float32,
    )


def _tc_lookup(ids_col, embedding, n):
    return pl.pallas_call(
        _tc_kernel,
        grid=(n // _BLK,),
        in_specs=[
            pl.BlockSpec((_BLK, 1), lambda i: (i, 0)),
            pl.BlockSpec((_VOCAB, _HIDDEN), lambda i: (0, 0)),
        ],
        out_specs=pl.BlockSpec((_BLK, _HIDDEN), lambda i: (i, 0)),
        out_shape=jax.ShapeDtypeStruct((n, _HIDDEN), jnp.float32),
    )(ids_col, embedding)


def _sc_body(ids_hbm, emb_hbm, out_hbm, idx_v, table_v,
             rows0_v, rows1_v, gsem0, gsem1):
    c = lax.axis_index("c")
    s = lax.axis_index("s")
    wid = s * 2 + c
    row0 = wid * _ROWS_PER_W
    pltpu.sync_copy(ids_hbm.at[pl.ds(row0, _ROWS_PER_W)], idx_v)
    pltpu.sync_copy(emb_hbm, table_v)

    def gather(r, buf, sem):
        return [
            pltpu.async_copy(
                table_v.at[idx_v.at[r + j]],
                buf.at[pl.ds(j * 128, 128)],
                sem,
            )
            for j in range(_K)
        ]

    def body(i, carry):
        ra = 2 * i * _K
        rb = ra + _K
        cps_a = gather(ra, rows0_v, gsem0)
        cps_b = gather(rb, rows1_v, gsem1)
        for cp in cps_a:
            cp.wait()
        pltpu.sync_copy(
            rows0_v, out_hbm.at[pl.ds((row0 + ra) * 128, _K * 128)])
        for cp in cps_b:
            cp.wait()
        pltpu.sync_copy(
            rows1_v, out_hbm.at[pl.ds((row0 + rb) * 128, _K * 128)])
        return carry

    lax.fori_loop(0, _NCHUNK // 2, body, 0)


def _sc_lookup(ids_2d, embedding, n):
    mesh = plsc.VectorSubcoreMesh(core_axis_name="c", subcore_axis_name="s")
    k = pl.kernel(
        _sc_body,
        mesh=mesh,
        out_type=jax.ShapeDtypeStruct((n, _HIDDEN), jnp.float32),
        scratch_types=[
            pltpu.VMEM((_ROWS_PER_W, 128), jnp.int32),
            pltpu.VMEM_SHARED((_VOCAB, _HIDDEN), jnp.float32),
            pltpu.VMEM((_K * 128, _HIDDEN), jnp.float32),
            pltpu.VMEM((_K * 128, _HIDDEN), jnp.float32),
            pltpu.SemaphoreType.DMA,
            pltpu.SemaphoreType.DMA,
        ],
    )
    return k(ids_2d, embedding)


def kernel(input_ids, embedding):
    batch, seq = input_ids.shape
    n = batch * seq
    ids_flat = input_ids.reshape(n).astype(jnp.int32)
    out0 = _tc_lookup(ids_flat.reshape(n, 1), embedding, n)
    out1 = _sc_lookup(ids_flat.reshape(n // 128, 128), embedding, n)
    return (out0.reshape(batch, seq, _HIDDEN),
            out1.reshape(batch, seq, _HIDDEN))

# --- scband reference (transcript-rebuilt; emitter-appended) ---
"""Pipeline reference for scband-dummy-encoder-34823594836244 (READ-ONLY COPY).

The authoritative reference and input builder live on the scoring server;
editing this copy changes nothing except your own understanding.
"""

import jax, jax.numpy as jnp
import numpy as np

VOCAB = 16
HIDDEN = 128
BATCH = 4096
SEQ = 200

def setup_inputs(seed: int = 0) -> dict:
    key = jax.random.key(seed)
    k1, k2 = jax.random.split(key)
    input_ids = jax.random.randint(k1, (BATCH, SEQ), 0, VOCAB, dtype=jnp.int64 if jax.config.jax_enable_x64 else jnp.int32)
    embedding = jax.random.normal(k2, (VOCAB, HIDDEN), dtype=jnp.float32)
    return {"input_ids": input_ids, "embedding": embedding}

def reference(input_ids, embedding):
    # DummyEncoder.forward with attention_mask=None, return_eos=False
    hidden = jnp.take(embedding, input_ids, axis=0)
    return (hidden, hidden)

if __name__ == "__main__":
    import jax
    _d = setup_inputs()
    print(jax.jit(kernel)(*tuple(_d.values())))

</pallas_src>

<mosaic_0001>
#map = affine_map<(d0, d1) -> (0, 0)>
module attributes {stable_mosaic.version = 14 : i64} {
  func.func @_sc_body(%arg0: i32, %arg1: i32, %arg2: memref<6400x128xi32, #tpu.memory_space<hbm>>, %arg3: memref<16x128xf32, #tpu.memory_space<hbm>>, %arg4: memref<819200x128xf32, #tpu.memory_space<hbm>>, %arg5: memref<200x128xi32, #tpu.memory_space<vmem>>, %arg6: memref<16x128xf32, #tpu.memory_space<vmem_shared>>, %arg7: memref<256x128xf32, #tpu.memory_space<vmem>>, %arg8: memref<256x128xf32, #tpu.memory_space<vmem>>, %arg9: memref<!tpu.dma_semaphore, #tpu.memory_space<semaphore_mem>>, %arg10: memref<!tpu.dma_semaphore, #tpu.memory_space<semaphore_mem>>) attributes {dimension_semantics = [#tpu.dimension_semantics<core_parallel>, #tpu.dimension_semantics<subcore_parallel>], iteration_bounds = array<i64: 2, 16>, scalar_prefetch = 0 : i64, scratch_operands = 6 : i64, tpu.core_type = #tpu.core_type<sc_vector_subcore>, window_params = [{transform_indices = #map}, {transform_indices = #map}, {transform_indices = #map}]} {
    %mul3A = arith.constant 2 : i32
    %mul3A_0 = arith.muli %arg1, %mul3A : i32
    %add3A = arith.addi %mul3A_0, %arg0 : i32
    %mul3A_1 = arith.constant 200 : i32
    %mul3A_2 = arith.muli %add3A, %mul3A_1 : i32
    "tpu.region"() ({
      %run_scoped3A = tpu.sem_alloc : memref<!tpu.dma_semaphore, #tpu.memory_space<semaphore_mem>>
      %dma_start3A = arith.constant 0 : i32
      %dma_start3A_8 = tpu.memref_slice %arg2[%mul3A_2, %dma_start3A] : memref<6400x128xi32, #tpu.memory_space<hbm>> -> memref<200x128xi32, #tpu.memory_space<hbm>>
      %dma_start3A_9 = arith.constant 0 : i32
      %dma_start3A_10 = tpu.memref_slice %arg2[%mul3A_2, %dma_start3A_9] : memref<6400x128xi32, #tpu.memory_space<hbm>> -> memref<200x128xi32, #tpu.memory_space<hbm>>
      tpu.enqueue_dma source(%dma_start3A_10 : memref<200x128xi32, #tpu.memory_space<hbm>>) target(%arg5 : memref<200x128xi32, #tpu.memory_space<vmem>>) target_semaphore(%run_scoped3A : memref<!tpu.dma_semaphore, #tpu.memory_space<semaphore_mem>>)
      %dma_wait3A = arith.constant 0 : i32
      %dma_wait3A_11 = tpu.memref_slice %arg2[%mul3A_2, %dma_wait3A] : memref<6400x128xi32, #tpu.memory_space<hbm>> -> memref<200x128xi32, #tpu.memory_space<hbm>>
      %dma_wait3A_12 = arith.constant 0 : i32
      %dma_wait3A_13 = tpu.memref_slice %arg2[%mul3A_2, %dma_wait3A_12] : memref<6400x128xi32, #tpu.memory_space<hbm>> -> memref<200x128xi32, #tpu.memory_space<hbm>>
      tpu.wait_dma2 semaphore(%run_scoped3A : memref<!tpu.dma_semaphore, #tpu.memory_space<semaphore_mem>>) src(%dma_wait3A_13 : memref<200x128xi32, #tpu.memory_space<hbm>>) dst(%arg5 : memref<200x128xi32, #tpu.memory_space<vmem>>)
      tpu.yield
    }) : () -> ()
    "tpu.region"() ({
      %run_scoped3A = tpu.sem_alloc : memref<!tpu.dma_semaphore, #tpu.memory_space<semaphore_mem>>
      tpu.enqueue_dma source(%arg3 : memref<16x128xf32, #tpu.memory_space<hbm>>) target(%arg6 : memref<16x128xf32, #tpu.memory_space<vmem_shared>>) target_semaphore(%run_scoped3A : memref<!tpu.dma_semaphore, #tpu.memory_space<semaphore_mem>>)
      tpu.wait_dma2 semaphore(%run_scoped3A : memref<!tpu.dma_semaphore, #tpu.memory_space<semaphore_mem>>) src(%arg3 : memref<16x128xf32, #tpu.memory_space<hbm>>) dst(%arg6 : memref<16x128xf32, #tpu.memory_space<vmem_shared>>)
      tpu.yield
    }) : () -> ()
    %scan3A = arith.constant 0 : i32
    %scan3A_3 = arith.constant 0 : i32
    %scan3A_4 = arith.constant 50 : i32
    %scan3A_5 = arith.addi %scan3A_3, %scan3A_4 : i32
    %scan3A_6 = arith.constant 1 : i32
    scf.for %scan3A_8 = %scan3A_3 to %scan3A_5 step %scan3A_6  : i32 {
      %mul3A_9 = arith.constant 2 : i32
      %mul3A_10 = arith.muli %mul3A_9, %scan3A_8 : i32
      %mul3A_11 = arith.constant 2 : i32
      %mul3A_12 = arith.muli %mul3A_10, %mul3A_11 : i32
      %add3A_13 = arith.constant 2 : i32
      %add3A_14 = arith.addi %mul3A_12, %add3A_13 : i32
      %add3A_15 = arith.constant 0 : i32
      %add3A_16 = arith.addi %mul3A_12, %add3A_15 : i32
      %dma_start3A = arith.constant 0 : i32
      %dma_start3A_17 = arith.constant 0 : i32
      %dma_start3A_18 = tpu.memref_slice %arg7[%dma_start3A, %dma_start3A_17] : memref<256x128xf32, #tpu.memory_space<vmem>> -> memref<128x128xf32, #tpu.memory_space<vmem>>
      %dma_start3A_19 = arith.constant 0 : i32
      %dma_start3A_20 = tpu.memref_slice %arg5[%add3A_16, %dma_start3A_19] : memref<200x128xi32, #tpu.memory_space<vmem>> -> memref<1x128xi32, #tpu.memory_space<vmem>>
      %dma_start3A_21 = tpu.memref_squeeze %dma_start3A_20 : memref<1x128xi32, #tpu.memory_space<vmem>> -> memref<128xi32, #tpu.memory_space<vmem>>
      %dma_start3A_22 = arith.constant 0 : i32
      %dma_start3A_23 = arith.constant 0 : i32
      %dma_start3A_24 = tpu.memref_slice %arg6[%dma_start3A_22, %dma_start3A_23] : memref<16x128xf32, #tpu.memory_space<vmem_shared>> -> memref<16x128xf32, #tpu.memory_space<vmem_shared>>
      tpu.enqueue_indirect_dma source(%dma_start3A_24 : memref<16x128xf32, #tpu.memory_space<vmem_shared>>) target(%dma_start3A_18 : memref<128x128xf32, #tpu.memory_space<vmem>>) offsets(%dma_start3A_21 : memref<128xi32, #tpu.memory_space<vmem>>) semaphore(%arg9 : memref<!tpu.dma_semaphore, #tpu.memory_space<semaphore_mem>>)
      %add3A_25 = arith.constant 1 : i32
      %add3A_26 = arith.addi %mul3A_12, %add3A_25 : i32
      %dma_start3A_27 = arith.constant 128 : i32
      %dma_start3A_28 = arith.constant 0 : i32
      %dma_start3A_29 = tpu.memref_slice %arg7[%dma_start3A_27, %dma_start3A_28] : memref<256x128xf32, #tpu.memory_space<vmem>> -> memref<128x128xf32, #tpu.memory_space<vmem>>
      %dma_start3A_30 = arith.constant 0 : i32
      %dma_start3A_31 = tpu.memref_slice %arg5[%add3A_26, %dma_start3A_30] : memref<200x128xi32, #tpu.memory_space<vmem>> -> memref<1x128xi32, #tpu.memory_space<vmem>>
      %dma_start3A_32 = tpu.memref_squeeze %dma_start3A_31 : memref<1x128xi32, #tpu.memory_space<vmem>> -> memref<128xi32, #tpu.memory_space<vmem>>
      %dma_start3A_33 = arith.constant 0 : i32
      %dma_start3A_34 = arith.constant 0 : i32
      %dma_start3A_35 = tpu.memref_slice %arg6[%dma_start3A_33, %dma_start3A_34] : memref<16x128xf32, #tpu.memory_space<vmem_shared>> -> memref<16x128xf32, #tpu.memory_space<vmem_shared>>
      tpu.enqueue_indirect_dma source(%dma_start3A_35 : memref<16x128xf32, #tpu.memory_space<vmem_shared>>) target(%dma_start3A_29 : memref<128x128xf32, #tpu.memory_space<vmem>>) offsets(%dma_start3A_32 : memref<128xi32, #tpu.memory_space<vmem>>) semaphore(%arg9 : memref<!tpu.dma_semaphore, #tpu.memory_space<semaphore_mem>>)
      %add3A_36 = arith.constant 0 : i32
      %add3A_37 = arith.addi %add3A_14, %add3A_36 : i32
      %dma_start3A_38 = arith.constant 0 : i32
      %dma_start3A_39 = arith.constant 0 : i32
      %dma_start3A_40 = tpu.memref_slice %arg8[%dma_start3A_38, %dma_start3A_39] : memref<256x128xf32, #tpu.memory_space<vmem>> -> memref<128x128xf32, #tpu.memory_space<vmem>>
      %dma_start3A_41 = arith.constant 0 : i32
      %dma_start3A_42 = tpu.memref_slice %arg5[%add3A_37, %dma_start3A_41] : memref<200x128xi32, #tpu.memory_space<vmem>> -> memref<1x128xi32, #tpu.memory_space<vmem>>
      %dma_start3A_43 = tpu.memref_squeeze %dma_start3A_42 : memref<1x128xi32, #tpu.memory_space<vmem>> -> memref<128xi32, #tpu.memory_space<vmem>>
      %dma_start3A_44 = arith.constant 0 : i32
      %dma_start3A_45 = arith.constant 0 : i32
      %dma_start3A_46 = tpu.memref_slice %arg6[%dma_start3A_44, %dma_start3A_45] : memref<16x128xf32, #tpu.memory_space<vmem_shared>> -> memref<16x128xf32, #tpu.memory_space<vmem_shared>>
      tpu.enqueue_indirect_dma source(%dma_start3A_46 : memref<16x128xf32, #tpu.memory_space<vmem_shared>>) target(%dma_start3A_40 : memref<128x128xf32, #tpu.memory_space<vmem>>) offsets(%dma_start3A_43 : memref<128xi32, #tpu.memory_space<vmem>>) semaphore(%arg10 : memref<!tpu.dma_semaphore, #tpu.memory_space<semaphore_mem>>)
      %add3A_47 = arith.constant 1 : i32
      %add3A_48 = arith.addi %add3A_14, %add3A_47 : i32
      %dma_start3A_49 = arith.constant 128 : i32
      %dma_start3A_50 = arith.constant 0 : i32
      %dma_start3A_51 = tpu.memref_slice %arg8[%dma_start3A_49, %dma_start3A_50] : memref<256x128xf32, #tpu.memory_space<vmem>> -> memref<128x128xf32, #tpu.memory_space<vmem>>
      %dma_start3A_52 = arith.constant 0 : i32
      %dma_start3A_53 = tpu.memref_slice %arg5[%add3A_48, %dma_start3A_52] : memref<200x128xi32, #tpu.memory_space<vmem>> -> memref<1x128xi32, #tpu.memory_space<vmem>>
      %dma_start3A_54 = tpu.memref_squeeze %dma_start3A_53 : memref<1x128xi32, #tpu.memory_space<vmem>> -> memref<128xi32, #tpu.memory_space<vmem>>
      %dma_start3A_55 = arith.constant 0 : i32
      %dma_start3A_56 = arith.constant 0 : i32
      %dma_start3A_57 = tpu.memref_slice %arg6[%dma_start3A_55, %dma_start3A_56] : memref<16x128xf32, #tpu.memory_space<vmem_shared>> -> memref<16x128xf32, #tpu.memory_space<vmem_shared>>
      tpu.enqueue_indirect_dma source(%dma_start3A_57 : memref<16x128xf32, #tpu.memory_space<vmem_shared>>) target(%dma_start3A_51 : memref<128x128xf32, #tpu.memory_space<vmem>>) offsets(%dma_start3A_54 : memref<128xi32, #tpu.memory_space<vmem>>) semaphore(%arg10 : memref<!tpu.dma_semaphore, #tpu.memory_space<semaphore_mem>>)
      %dma_wait3A = arith.constant 0 : i32
      %dma_wait3A_58 = arith.constant 0 : i32
      %dma_wait3A_59 = tpu.memref_slice %arg7[%dma_wait3A, %dma_wait3A_58] : memref<256x128xf32, #tpu.memory_space<vmem>> -> memref<128x128xf32, #tpu.memory_space<vmem>>
      %dma_wait3A_60 = arith.constant 0 : i32
      %dma_wait3A_61 = tpu.memref_slice %arg5[%add3A_16, %dma_wait3A_60] : memref<200x128xi32, #tpu.memory_space<vmem>> -> memref<1x128xi32, #tpu.memory_space<vmem>>
      %dma_wait3A_62 = tpu.memref_squeeze %dma_wait3A_61 : memref<1x128xi32, #tpu.memory_space<vmem>> -> memref<128xi32, #tpu.memory_space<vmem>>
      %dma_wait3A_63 = arith.constant 0 : i32
      %dma_wait3A_64 = arith.constant 0 : i32
      %dma_wait3A_65 = tpu.memref_slice %arg6[%dma_wait3A_63, %dma_wait3A_64] : memref<16x128xf32, #tpu.memory_space<vmem_shared>> -> memref<16x128xf32, #tpu.memory_space<vmem_shared>>
      tpu.wait_indirect_dma semaphore(%arg9 : memref<!tpu.dma_semaphore, #tpu.memory_space<semaphore_mem>>) src(%dma_wait3A_65 : memref<16x128xf32, #tpu.memory_space<vmem_shared>>) dst(%dma_wait3A_59 : memref<128x128xf32, #tpu.memory_space<vmem>>)
      %dma_wait3A_66 = arith.constant 128 : i32
      %dma_wait3A_67 = arith.constant 0 : i32
      %dma_wait3A_68 = tpu.memref_slice %arg7[%dma_wait3A_66, %dma_wait3A_67] : memref<256x128xf32, #tpu.memory_space<vmem>> -> memref<128x128xf32, #tpu.memory_space<vmem>>
      %dma_wait3A_69 = arith.constant 0 : i32
      %dma_wait3A_70 = tpu.memref_slice %arg5[%add3A_26, %dma_wait3A_69] : memref<200x128xi32, #tpu.memory_space<vmem>> -> memref<1x128xi32, #tpu.memory_space<vmem>>
      %dma_wait3A_71 = tpu.memref_squeeze %dma_wait3A_70 : memref<1x128xi32, #tpu.memory_space<vmem>> -> memref<128xi32, #tpu.memory_space<vmem>>
      %dma_wait3A_72 = arith.constant 0 : i32
      %dma_wait3A_73 = arith.constant 0 : i32
      %dma_wait3A_74 = tpu.memref_slice %arg6[%dma_wait3A_72, %dma_wait3A_73] : memref<16x128xf32, #tpu.memory_space<vmem_shared>> -> memref<16x128xf32, #tpu.memory_space<vmem_shared>>
      tpu.wait_indirect_dma semaphore(%arg9 : memref<!tpu.dma_semaphore, #tpu.memory_space<semaphore_mem>>) src(%dma_wait3A_74 : memref<16x128xf32, #tpu.memory_space<vmem_shared>>) dst(%dma_wait3A_68 : memref<128x128xf32, #tpu.memory_space<vmem>>)
      %add3A_75 = arith.addi %mul3A_2, %mul3A_12 : i32
      %mul3A_76 = arith.constant 128 : i32
      %mul3A_77 = arith.muli %add3A_75, %mul3A_76 : i32
      "tpu.region"() ({
        %run_scoped3A = tpu.sem_alloc : memref<!tpu.dma_semaphore, #tpu.memory_space<semaphore_mem>>
        %dma_start3A_99 = arith.constant 0 : i32
        %dma_start3A_100 = tpu.memref_slice %arg4[%mul3A_77, %dma_start3A_99] : memref<819200x128xf32, #tpu.memory_space<hbm>> -> memref<256x128xf32, #tpu.memory_space<hbm>>
        %dma_start3A_101 = arith.constant 0 : i32
        %dma_start3A_102 = tpu.memref_slice %arg4[%mul3A_77, %dma_start3A_101] : memref<819200x128xf32, #tpu.memory_space<hbm>> -> memref<256x128xf32, #tpu.memory_space<hbm>>
        tpu.enqueue_dma source(%arg7 : memref<256x128xf32, #tpu.memory_space<vmem>>) target(%dma_start3A_102 : memref<256x128xf32, #tpu.memory_space<hbm>>) target_semaphore(%run_scoped3A : memref<!tpu.dma_semaphore, #tpu.memory_space<semaphore_mem>>)
        %dma_wait3A_103 = arith.constant 0 : i32
        %dma_wait3A_104 = tpu.memref_slice %arg4[%mul3A_77, %dma_wait3A_103] : memref<819200x128xf32, #tpu.memory_space<hbm>> -> memref<256x128xf32, #tpu.memory_space<hbm>>
        %dma_wait3A_105 = arith.constant 0 : i32
        %dma_wait3A_106 = tpu.memref_slice %arg4[%mul3A_77, %dma_wait3A_105] : memref<819200x128xf32, #tpu.memory_space<hbm>> -> memref<256x128xf32, #tpu.memory_space<hbm>>
        tpu.wait_dma2 semaphore(%run_scoped3A : memref<!tpu.dma_semaphore, #tpu.memory_space<semaphore_mem>>) src(%arg7 : memref<256x128xf32, #tpu.memory_space<vmem>>) dst(%dma_wait3A_106 : memref<256x128xf32, #tpu.memory_space<hbm>>)
        tpu.yield
      }) : () -> ()
      %dma_wait3A_78 = arith.constant 0 : i32
      %dma_wait3A_79 = arith.constant 0 : i32
      %dma_wait3A_80 = tpu.memref_slice %arg8[%dma_wait3A_78, %dma_wait3A_79] : memref<256x128xf32, #tpu.memory_space<vmem>> -> memref<128x128xf32, #tpu.memory_space<vmem>>
      %dma_wait3A_81 = arith.constant 0 : i32
      %dma_wait3A_82 = tpu.memref_slice %arg5[%add3A_37, %dma_wait3A_81] : memref<200x128xi32, #tpu.memory_space<vmem>> -> memref<1x128xi32, #tpu.memory_space<vmem>>
      %dma_wait3A_83 = tpu.memref_squeeze %dma_wait3A_82 : memref<1x128xi32, #tpu.memory_space<vmem>> -> memref<128xi32, #tpu.memory_space<vmem>>
      %dma_wait3A_84 = arith.constant 0 : i32
      %dma_wait3A_85 = arith.constant 0 : i32
      %dma_wait3A_86 = tpu.memref_slice %arg6[%dma_wait3A_84, %dma_wait3A_85] : memref<16x128xf32, #tpu.memory_space<vmem_shared>> -> memref<16x128xf32, #tpu.memory_space<vmem_shared>>
      tpu.wait_indirect_dma semaphore(%arg10 : memref<!tpu.dma_semaphore, #tpu.memory_space<semaphore_mem>>) src(%dma_wait3A_86 : memref<16x128xf32, #tpu.memory_space<vmem_shared>>) dst(%dma_wait3A_80 : memref<128x128xf32, #tpu.memory_space<vmem>>)
      %dma_wait3A_87 = arith.constant 128 : i32
      %dma_wait3A_88 = arith.constant 0 : i32
      %dma_wait3A_89 = tpu.memref_slice %arg8[%dma_wait3A_87, %dma_wait3A_88] : memref<256x128xf32, #tpu.memory_space<vmem>> -> memref<128x128xf32, #tpu.memory_space<vmem>>
      %dma_wait3A_90 = arith.constant 0 : i32
      %dma_wait3A_91 = tpu.memref_slice %arg5[%add3A_48, %dma_wait3A_90] : memref<200x128xi32, #tpu.memory_space<vmem>> -> memref<1x128xi32, #tpu.memory_space<vmem>>
      %dma_wait3A_92 = tpu.memref_squeeze %dma_wait3A_91 : memref<1x128xi32, #tpu.memory_space<vmem>> -> memref<128xi32, #tpu.memory_space<vmem>>
      %dma_wait3A_93 = arith.constant 0 : i32
      %dma_wait3A_94 = arith.constant 0 : i32
      %dma_wait3A_95 = tpu.memref_slice %arg6[%dma_wait3A_93, %dma_wait3A_94] : memref<16x128xf32, #tpu.memory_space<vmem_shared>> -> memref<16x128xf32, #tpu.memory_space<vmem_shared>>
      tpu.wait_indirect_dma semaphore(%arg10 : memref<!tpu.dma_semaphore, #tpu.memory_space<semaphore_mem>>) src(%dma_wait3A_95 : memref<16x128xf32, #tpu.memory_space<vmem_shared>>) dst(%dma_wait3A_89 : memref<128x128xf32, #tpu.memory_space<vmem>>)
      %add3A_96 = arith.addi %mul3A_2, %add3A_14 : i32
      %mul3A_97 = arith.constant 128 : i32
      %mul3A_98 = arith.muli %add3A_96, %mul3A_97 : i32
      "tpu.region"() ({
        %run_scoped3A = tpu.sem_alloc : memref<!tpu.dma_semaphore, #tpu.memory_space<semaphore_mem>>
        %dma_start3A_99 = arith.constant 0 : i32
        %dma_start3A_100 = tpu.memref_slice %arg4[%mul3A_98, %dma_start3A_99] : memref<819200x128xf32, #tpu.memory_space<hbm>> -> memref<256x128xf32, #tpu.memory_space<hbm>>
        %dma_start3A_101 = arith.constant 0 : i32
        %dma_start3A_102 = tpu.memref_slice %arg4[%mul3A_98, %dma_start3A_101] : memref<819200x128xf32, #tpu.memory_space<hbm>> -> memref<256x128xf32, #tpu.memory_space<hbm>>
        tpu.enqueue_dma source(%arg8 : memref<256x128xf32, #tpu.memory_space<vmem>>) target(%dma_start3A_102 : memref<256x128xf32, #tpu.memory_space<hbm>>) target_semaphore(%run_scoped3A : memref<!tpu.dma_semaphore, #tpu.memory_space<semaphore_mem>>)
        %dma_wait3A_103 = arith.constant 0 : i32
        %dma_wait3A_104 = tpu.memref_slice %arg4[%mul3A_98, %dma_wait3A_103] : memref<819200x128xf32, #tpu.memory_space<hbm>> -> memref<256x128xf32, #tpu.memory_space<hbm>>
        %dma_wait3A_105 = arith.constant 0 : i32
        %dma_wait3A_106 = tpu.memref_slice %arg4[%mul3A_98, %dma_wait3A_105] : memref<819200x128xf32, #tpu.memory_space<hbm>> -> memref<256x128xf32, #tpu.memory_space<hbm>>
        tpu.wait_dma2 semaphore(%run_scoped3A : memref<!tpu.dma_semaphore, #tpu.memory_space<semaphore_mem>>) src(%arg8 : memref<256x128xf32, #tpu.memory_space<vmem>>) dst(%dma_wait3A_106 : memref<256x128xf32, #tpu.memory_space<hbm>>)
        tpu.yield
      }) : () -> ()
    }
    %scan3A_7 = arith.constant 50 : i32
    return
  }
}

module attributes {stable_mosaic.version = 14 : i64} {
  func.func @_tc_kernel(%arg0: i32, %arg1: memref<16384x1xi32, #tpu.memory_space<vmem>>, %arg2: memref<16x128xf32, #tpu.memory_space<vmem>>, %arg3: memref<16384x128xf32, #tpu.memory_space<vmem>>) attributes {dimension_semantics = [#tpu.dimension_semantics<arbitrary>], iteration_bounds = array<i64: 50>, scalar_prefetch = 0 : i64, scratch_operands = 0 : i64, tpu.core_type = #tpu.core_type<tc>, window_params = [{transform_indices = @transform_0, window_bounds = array<i64: 16384, 1>}, {pipeline_mode = #tpu.pipeline_mode<synchronous>, transform_indices = @transform_1, window_bounds = array<i64: 16, 128>}, {transform_indices = @transform_2, window_bounds = array<i64: 16384, 128>}]} {
    %get3A = arith.constant 0 : index
    %get3A_0 = arith.constant 0 : index
    %get3A_1 = vector.load %arg1[%get3A, %get3A_0] : memref<16384x1xi32, #tpu.memory_space<vmem>>, vector<16384x1xi32>
    %iota3A = tpu.iota {dimensions = array<i32: 1>} : vector<1x16xi32>
    %eq3A = vector.broadcast %get3A_1 : vector<16384x1xi32> to vector<16384x16xi32>
    %eq3A_2 = vector.broadcast %iota3A : vector<1x16xi32> to vector<16384x16xi32>
    %eq3A_3 = arith.cmpi eq, %eq3A, %eq3A_2 : vector<16384x16xi32>
    %convert_element_type3A = arith.extui %eq3A_3 : vector<16384x16xi1> to vector<16384x16xi32>
    %convert_element_type3A_4 = arith.sitofp %convert_element_type3A : vector<16384x16xi32> to vector<16384x16xf32>
    %get3A_5 = arith.constant 0 : index
    %get3A_6 = arith.constant 0 : index
    %get3A_7 = vector.load %arg2[%get3A_5, %get3A_6] : memref<16x128xf32, #tpu.memory_space<vmem>>, vector<16x128xf32>
    %dot_general3A = arith.constant dense<0.000000e+00> : vector<16384x128xf32>
    %dot_general3A_8 = tpu.matmul %convert_element_type3A_4, %get3A_7, %dot_general3A {dimension_numbers = #tpu.dot_dimension_numbers<[1], [0], [0], [1], [0, 0, 1, 1], [], []>, transpose_lhs_hint = false} : vector<16384x16xf32>, vector<16x128xf32>, vector<16384x128xf32> -> vector<16384x128xf32>
    %swap3A = arith.constant 0 : index
    %swap3A_9 = arith.constant 0 : index
    %swap3A_10 = vector.load %arg3[%swap3A, %swap3A_9] : memref<16384x128xf32, #tpu.memory_space<vmem>>, vector<16384x128xf32>
    tpu.vector_store %arg3[%swap3A, %swap3A_9], %dot_general3A_8 {strides = array<i32>} : memref<16384x128xf32, #tpu.memory_space<vmem>>, vector<16384x128xf32>,
    return
  }
  func.func @transform_0(%arg0: i32) -> (i32, i32) {
    %c0_i32 = arith.constant 0 : i32
    %c0_i32_0 = arith.constant 0 : i32
    return %arg0, %c0_i32 : i32, i32
  }
  func.func @transform_1(%arg0: i32) -> (i32, i32) {
    %c0_i32 = arith.constant 0 : i32
    %c0_i32_0 = arith.constant 0 : i32
    %c0_i32_1 = arith.constant 0 : i32
    return %c0_i32, %c0_i32_0 : i32, i32
  }
  func.func @transform_2(%arg0: i32) -> (i32, i32) {
    %c0_i32 = arith.constant 0 : i32
    %c0_i32_0 = arith.constant 0 : i32
    return %arg0, %c0_i32 : i32, i32
  }
}

</mosaic_0001>

<sc_bundles>
// kernel: kernel.4.cloned.1.call-start
scs
__scs_entry_jumppad:
0x0: {  	(pc) =	sbr.rel $0x88, $3  }
0x1: {  	(tag) =	ssettag $0x0;
	lr =	simm.s32 $0x1  }
0x2: {  	[smem:$0x3F9F] =	sst lr;
	_ =	strace $0xD0000000  }
0x3: {  	_ = 	snop  }
0x4: {  	_ = 	snop  }
0x5: {  	_ = 	snop  }
0x6: {  	_ = 	snop  }
0x7: {  	_ = 	snop  }
__scs_overlays_trampoline_lowered:
0x8: {  	[smem:$0x3FAE] =	sst s0  }
0x9: {  	[smem:$0x3FAF] =	sst s1  }
0xa: {  	[smem:$0x3FB0] =	sst s2  }
0xb: {  	[smem:$0x3FB1] =	sst s3  }
0xc: {  	[smem:$0x3FB2] =	sst s4  }
0xd: {  	[smem:$0x3FB3] =	sst s5  }
0xe: {  	[smem:$0x3FB4] =	sst s6  }
0xf: {  	[smem:$0x3FB5] =	sst s7  }
0x10: {  	[smem:$0x3FB6] =	sst s8  }
0x11: {  	[smem:$0x3FB7] =	sst s9;
	s0 =	simm.s32 @!p0 $0x0  }
0x12: {  	s1 =	sld [smem:$0x3F9D];
	s0 =	simm.s32 @p0 $0x1  }
0x13: {  	[smem:$0x3FB8] =	sst s0;
	s0 =	simm.s32 @!p1 $0x0  }
0x14: {  	s2 =	sld [smem:$0x3F9C];
	s0 =	simm.s32 @p1 $0x1  }
0x15: {  	[smem:$0x3FB9] =	sst s0;
	s0 =	simm.s32 @!p2 $0x0  }
0x16: {  	s3 =	sld [smem:$0x3FDB];
	s0 =	simm.s32 @p2 $0x1  }
0x17: {  	s4 =	simm.s32 $0x1BF5;
	[smem:$0x3FBB] =	sst s0  }
0x18: {  	s0 =	sld [smem:$0x3F9E];
	_ =	swait.ge [sflag:s4], $0x0  }
0x19: {  	s7 =	sld [smem:$0x3F9F]  }
0x1a: {  	s8 =	sadd.s32 $0xFFFFE003, lr  }
0x1b: {  	s9 =	sadd.s32 $0xFFFFFEF7, lr;
	s5 =	simm.s32 $0xFFFFFFFF;
	p2 =	slt.u32 s8, $0xFFFFF086  }
0x1c: {  	p1 =	slt.u32 s9, $0xF7A;
	s5 =	simm.s32 @!p2 $0x0  }
0x1d: {  	s5 =	simm.s32 @p1 $0x1;
	p0 =	seq.s32 s7, s2  }
0x1e: {  	s7 =	smul.u32 @!p0 $0xF7A, s2;
	p2 =	seq.s32 @!p0 s5, $0x0  }
0x1f: {  	s9 =	smul.u32 $0xF7A, s1;
	s8 =	simm.s32 @!p0 $0x1BF5;
	p2 =	por !p2, p0  }
0x20: {  	[sflag:s8] =	ssyncset.s32 @!p0 $0xFFFFF086;
	s6 =	sadd.s32 @!p0 s3, s7;
	s7 =	simm.s32 @!p0 $0x108  }
0x21: {  	s3 =	sadd.s32 s3, s9;
	s6 =	sadd.s32 @!p0 $0x88, s6;
	s7 =	simm.s32 @p2 $0x1082  }
0x22: {  	[simem:s7], [sflag:s8] =	dma.local @!p0 [hbm:s6], $0xF7A  }
0x23: {  	s9 =	sor.u32 $0xD0000000, s2;
	s6 =	simm.s32 $0x108;
	_ =	swait.ge @!p0 [sflag:s8], $0x0  }
0x24: {  	s3 =	sadd.s32 $0x88, s3;
	s6 =	simm.s32 @!p1 $0x1082;
	[sflag:s4] =	ssyncset.s32 $0xFFFFF086  }
0x25: {  	[simem:s6], [sflag:s4] =	dma.local [hbm:s3], $0xF7A  }
0x26: {  	[smem:$0x3F9F] =	sst s1;
	(tag) =	ssettag s2;
	_ =	strace s9  }
0x27: {  	s1 =	sld [smem:$0x3FAF]  }
0x28: {  	s2 =	sld [smem:$0x3FB0]  }
0x29: {  	s4 =	sld [smem:$0x3FB2]  }
0x2a: {  	p0 =	seq.s32 s5, $0x0;
	s5 =	sld [smem:$0x3FB3]  }
0x2b: {  	s6 =	sld [smem:$0x3FB4]  }
0x2c: {  	s7 =	sld [smem:$0x3FB5]  }
0x2d: {  	s3 =	simm.s32 $0x108;
	s8 =	sld [smem:$0x3FB6]  }
0x2e: {  	s3 =	simm.s32 @!p0 $0x1082;
	s9 =	sld [smem:$0x3FB7]  }
0x2f: {  	lr =	sadd.s32 s0, s3;
	s0 =	sld [smem:$0x3FAE]  }
0x30: {  	s3 =	sld [smem:$0x3FB1]  }
0x31: {  	[smem:$0x3FBA] =	sst s10  }
0x32: {  	s10 =	sld [smem:$0x3FB8];
	_ =	sdelay $0x3  }
0x33: {  	p0 =	seq.s32 s10, $0x1;
	s10 =	sld [smem:$0x3FBA];
	_ =	sdelay $0x3  }
0x34: {  	[smem:$0x3FBA] =	sst s10  }
0x35: {  	s10 =	sld [smem:$0x3FB9];
	_ =	sdelay $0x3  }
0x36: {  	p1 =	seq.s32 s10, $0x1;
	s10 =	sld [smem:$0x3FBA];
	_ =	sdelay $0x3  }
0x37: {  	[smem:$0x3FBA] =	sst s10  }
0x38: {  	s10 =	sld [smem:$0x3FBB]  }
0x39: {  	_ = 	snop;
	(pc) =	sbr.ind lr, $3  }
0x3a: {  	_ = 	snop  }
0x3b: {  	_ = 	snop  }
0x3c: {  	p2 =	seq.s32 s10, $0x1;
	s10 =	sld [smem:$0x3FBA]  }
0x3d: {  	_ =	shalt  }
0x3e: {  	_ =	shalt  }
0x3f: {  	_ =	shalt  }
0x40: {  	_ =	shalt  }
0x41: {  	_ =	shalt  }
0x42: {  	_ =	shalt  }
0x43: {  	_ =	shalt  }
0x44: {  	_ =	shalt  }
0x45: {  	_ =	shalt  }
0x46: {  	_ =	shalt  }
0x47: {  	_ =	shalt  }
0x48: {  	_ =	shalt  }
0x49: {  	_ =	shalt  }
0x4a: {  	_ =	shalt  }
0x4b: {  	_ =	shalt  }
0x4c: {  	_ =	shalt  }
0x4d: {  	_ =	shalt  }
0x4e: {  	_ =	shalt  }
0x4f: {  	_ =	shalt  }
0x50: {  	_ =	shalt  }
0x51: {  	_ =	shalt  }
0x52: {  	_ =	shalt  }
0x53: {  	_ =	shalt  }
0x54: {  	_ =	shalt  }
0x55: {  	_ =	shalt  }
0x56: {  	_ =	shalt  }
0x57: {  	_ =	shalt  }
0x58: {  	_ =	shalt  }
0x59: {  	_ =	shalt  }
0x5a: {  	_ =	shalt  }
0x5b: {  	_ =	shalt  }
0x5c: {  	_ =	shalt  }
0x5d: {  	_ =	shalt  }
0x5e: {  	_ =	shalt  }
0x5f: {  	_ =	shalt  }
0x60: {  	_ =	shalt  }
0x61: {  	_ =	shalt  }
0x62: {  	_ =	shalt  }
0x63: {  	_ =	shalt  }
0x64: {  	_ =	shalt  }
0x65: {  	_ =	shalt  }
0x66: {  	_ =	shalt  }
0x67: {  	_ =	shalt  }
0x68: {  	_ =	shalt  }
0x69: {  	_ =	shalt  }
0x6a: {  	_ =	shalt  }
0x6b: {  	_ =	shalt  }
0x6c: {  	_ =	shalt  }
0x6d: {  	_ =	shalt  }
0x6e: {  	_ =	shalt  }
0x6f: {  	_ =	shalt  }
0x70: {  	_ =	shalt  }
0x71: {  	_ =	shalt  }
0x72: {  	_ =	shalt  }
0x73: {  	_ =	shalt  }
0x74: {  	_ =	shalt  }
0x75: {  	_ =	shalt  }
0x76: {  	_ =	shalt  }
0x77: {  	_ =	shalt  }
0x78: {  	_ =	shalt  }
0x79: {  	_ =	shalt  }
0x7a: {  	_ =	shalt  }
0x7b: {  	_ =	shalt  }
0x7c: {  	_ =	shalt  }
0x7d: {  	_ =	shalt  }
0x7e: {  	_ =	shalt  }
0x7f: {  	_ =	shalt  }
0x80: {  	_ =	shalt  }
0x81: {  	_ =	shalt  }
0x82: {  	_ =	shalt  }
0x83: {  	_ =	shalt  }
0x84: {  	_ =	shalt  }
0x85: {  	_ =	shalt  }
0x86: {  	_ =	shalt  }
0x87: {  	_ =	shalt  }
.Lfunc_end0:
.L_simem_size_0:
called_computation_lowered:
.L_overlay_start_0:
0x88: {  	s2 =	sld [smem:$0x3FD9]  }
0x89: {  	s3 =	sld [smem:$0x3FFE];
	_ =	sdelay $0x1  }
0x8a: {  	s1 =	srdreg.scid  }
0x8b: {  	s0 =	sand.u32 $0x1, s1  }
0x8c: {  	s14 =	sshll.u32 s0, $0xA;
	s2 =	sadd.s32 s3, s2  }
0x8d: {  	s2 =	sadd.s32 s2, s14  }
0x8e: {  	[smem:$0x3FC6] =	sst s2  }
0x8f: {  	_ = 	snop  }
0x90: {  	s2 =	sld [smem:$0x3FD0];
	_ =	sdelay $0x2  }
0x91: {  	s4 =	simm.s32 $0xA;
	s5 =	simm.s32 $0x10;
	s15 =	sld [smem:$0x3FC8]  }
0x92: {  	[smem:s5], [sflag:s4] =	dma.local [hbm:s2], $0x1  }
0x93: {  	_ =	swait.eq [sflag:s4], $0x1  }
0x94: {  	[sflag:s4] =	ssyncset.done $0x0  }
0x95: {  	[sflag:s4] =	ssyncadd.s32 $0xFFFFFFFF  }
0x96: {  	s16 =	sld [smem:$0x11];
	(tm) =	ssettm $0x1  }
0x97: {  	s17 =	sld [smem:$0x3FFB];
	_ =	sdelay $0x3  }
0x98: {  	_ =	strace s17  }
0x99: {  	s4 =	sld [smem:$0x3FFC];
	_ =	sdelay $0x3  }
0x9a: {  	_ =	strace s4  }
0x9b: {  	s4 =	sld [smem:$0x3FFD];
	_ =	sdelay $0x3  }
0x9c: {  	_ =	strace s4  }
0x9d: {  	_ =	strace $0x8FFFFFFF  }
0x9e: {  	s18 =	sld [smem:$0x3FDB];
	_ =	sdelay $0x1  }
0x9f: {  	s19 =	simm.s32 $_scs_section_size  }
0xa0: {  	s6 =	simm.s32 $_size__tile_overlayer_lowered;
	s7 =	simm.s32 $_tile_overlayer_lowered  }
0xa1: {  	s22 =	simm.s32 $0x1BFF;
	s21 =	sshll.u32 s7, $0x1;
	s4 =	sadd.s32 s19, s18  }
0xa2: {  	s8 =	simm.s32 $0x0;
	s20 =	sshll.u32 s6, $0x1;
	s6 =	sadd.s32 s21, s4  }
0xa3: {  	[timem:s8], [sflag:s22] =	dma.local [hbm:s6], s20  }
0xa4: {  	_ =	swait.ge [sflag:s22], s20  }
0xa5: {  	s5 =	ssub.s32 $0x0, s20;
	[sflag:s22] =	ssyncset.done $0x0  }
0xa6: {  	[sflag:s22] =	ssyncadd.s32 s5;
	_ =	sdelay $0x1  }
0xa7: {  	s23 =	simm.s32 $0x1B8B  }
0xa8: {  	_ =	swait.ge [sflag:s23], $0x1  }
0xa9: {  	[sflag:s23] =	ssyncset.done $0x0  }
0xaa: {  	s25 =	simm.s32 $0x1B8E;
	s24 =	sld [smem:$0x3FFE];
	[sflag:s23] =	ssyncadd.s32 $0xFFFFFFFF  }
0xab: {  	s26 =	simm.s32 $execute0_lowered;
	[smem:$0x3FD2] =	sst s25  }
0xac: {  	s6 =	sshll.u32 s26, $0x1;
	_ =	strace $0x80000046;
	[dreg:$0x1] =	wrdreg $0xFFFFFFFF  }
0xad: {  	s28 =	simm.s32 $_size_execute0_lowered;
	s4 =	sadd.s32 s4, s6;
	[dreg:$0x0] =	wrdreg $0x0  }
0xae: {  	s6 =	sshll.u32 s28, $0x1;
	[dreg:$0x2] =	wrdreg s4  }
0xaf: {  	[dreg:$0x3] =	wrdreg s6  }
0xb0: {  	[dreg:$0x4] =	wrdreg $0xC0  }
0xb1: {  	_ =	task [dreg:s8], $0x5FFFF  }
0xb2: {  	[dreg:$0x1] =	wrdreg $0xFFFFFFFF  }
0xb3: {  	[dreg:$0x0] =	wrdreg $0x60  }
0xb4: {  	[dreg:$0x2] =	wrdreg s24  }
0xb5: {  	[dreg:$0x3] =	wrdreg s15  }
0xb6: {  	[dreg:$0x4] =	wrdreg s16  }
0xb7: {  	[dreg:$0x5] =	wrdreg $0x64000  }
0xb8: {  	[dreg:$0x6] =	wrdreg $0x9  }
0xb9: {  	_ =	task.clear_ibuf [dreg:s8], $0x7FFFF;
	_ =	strace $0x90000046  }
0xba: {  	s29 =	simm.s32 $0x9;
	_ =	strace $0x80000048  }
0xbb: {  	_ =	swait.ge [sflag:s29], $0x1  }
0xbc: {  	[sflag:s29] =	ssyncadd.s32 $0xFFFFFFFF  }
0xbd: {  	_ =	strace $0x90000048  }
0xbe: {  	_ =	sfence  }
0xbf: {  	s30 =	sld [smem:$0x0];
	_ =	sdelay $0x2  }
0xc0: {  	s31 =	sshll.u32 s1, $0xD;
	s1 =	sshrl.u32 s1, $0x2  }
0xc1: {  	s3 =	sand.u32 $0x4000, s31;
	s1 =	sadd.s32 s1, s30  }
0xc2: {  	s0 =	sor.u32 s3, s0;
	s1 =	sshll.u32 s1, $0x11  }
0xc3: {  	s0 =	sor.u32 s1, s0  }
0xc4: {  	s0 =	sadd.s32 $0x8F2B, s0  }
0xc5: {  	[sflag:s0] =	ssyncadd.remote.s32 $0x1  }
0xc6: {  	_ =	sfence.sel $0xFFFF  }
0xc7: {  	[dreg:$0x0] =	wrdreg $0xFFFFFFFF;
	(pc) =	sbr.abs _section_cstart, $3  }
0xc8: {  	[dreg:$0x1] =	wrdreg $0xFFFFFFFF  }
0xc9: {  	_ =	task.clear_ibuf [dreg:s8], $0x2FFFF;
	_ =	strace $0x9FFFFFFF  }
0xca: {  	(tm) =	ssettm $0x7FFFFFFF  }
0xcb: {  	_ =	shalt  }
tec
execute0_lowered:
.L_overlay_start_1:
0x0: {  	(tag) =	ssettag $0x1  }
0x1: {  	s5 =	rddreg [dreg:$0x0]  }
0x2: {  	s1 =	rddreg [dreg:$0x1]  }
0x3: {  	s2 =	srdreg.scid;
	s8 =	rddreg [dreg:$0x2]  }
0x4: {  	s0 =	stileid.u32;
	s3 =	rddreg [dreg:$0x3]  }
0x5: {  	s4 =	simm.s32 $0x0;
	s13 =	simm.s32 $0x6480;
	s14 =	simm.s32 $0xA480  }
0x6: {  	s15 =	simm.s32 $0xE480;
	s16 =	simm.s32 $0x12480;
	s17 =	simm.s32 $0x1  }
0x7: {  	s18 =	simm.s32 $0x2;
	s19 =	simm.s32 $0x0;
	s9 =	smul.u32 $0x190, s0  }
0x8: {  	s7 =	sand.u32 $0x1, s2;
	s26 =	sshll.u32 s0, $0x1;
	s29 =	smul.u32 $0xC8000, s0  }
0x9: {  	[smem:$0x7FF] =	sst s4;
	s31 =	sshll.u32 s0, $0x6;
	s11 =	smul.u32 $0xC8, s7  }
0xa: {  	s2 =	sor.u32 s7, s26;
	s10 =	ssub.s32 $0x2, s7;
	s30 =	smul.u32 $0x64000, s7  }
0xb: {  	s6 =	smul.u32 $0xC80, s2;
	s2 =	rddreg [dreg:$0x4];
	s12 =	sshrl.u32 s10, $0x1  }
0xc: {  	_ =	strace $0x80000047;
	s28 =	ssub.s32 s10, s12;
	s9 =	sadd.s32 s11, s9  }
0xd: {  	s10 =	sor.u32 $0x1C03, s31;
	s11 =	sshrl.u32 s3, $0x3;
	s12 =	simm.s32 $0x80  }
0xe: {  	s5 =	sadd.s32 s6, s5;
	s9 =	sshll.u32 s9, $0xB;
	s6 =	smax.u32 s28, $0x1  }
0xf: {  	s5 =	sadd.s32 $0x800, s5;
	s9 =	sadd.s32 s9, s8;
	s8 =	sadd.s32 s29, s8  }
0x10: {  	s7 =	sadd.s32 $0x1000, s9;
	s8 =	sadd.s32 s30, s8;
	s9 =	simm.s32 $0x3  }
.LBB2_1:
0x11: {  	[tilespmem:s4], [sflag:$0x3] =	stream.linear.gather [hbm4b:s5+s4], $0x6400, $0x38;
	[tilespmem:$0x16480] =	vst v63  }
0x12: {  	_ =	swait.ge [sflag:s9], $0x6400  }
0x13: {  	[sflag:s9] =	ssyncset.done $0x0  }
0x14: {  	[sflag:s9] =	ssyncadd.s32 $0xFFFF9C00  }
0x15: {  	[spmem:s11], [sflag:s10] =	dma.local [hbm:s1], $0x100  }
0x16: {  	_ =	swait.ge [sflag:s9], $0x100  }
0x17: {  	[sflag:s9] =	ssyncset.done $0x0  }
0x18: {  	s20 =	simm.s32 $0x0;
	[sflag:s9] =	ssyncadd.s32 $0xFFFFFF00  }
0x19: {  	[tilespmem:s13], [sflag:$0x1] =	stream.indirect.gather [spmem:s3], $0x80, s20, s12, $0xb8;
	[tilespmem:$0x16480] =	vst v63  }
0x1a: {  	s29 =	simm.s32 $0x80  }
0x1b: {  	[tilespmem:s14], [sflag:$0x1] =	stream.indirect.gather [spmem:s3], $0x80, s29, s12, $0xb8;
	[tilespmem:$0x16480] =	vst v63  }
0x1c: {  	s30 =	simm.s32 $0x100  }
0x1d: {  	[tilespmem:s15], [sflag:$0x2] =	stream.indirect.gather [spmem:s3], $0x80, s30, s12, $0xb8;
	[tilespmem:$0x16480] =	vst v63  }
0x1e: {  	s31 =	simm.s32 $0x180  }
0x1f: {  	[tilespmem:s16], [sflag:$0x2] =	stream.indirect.gather [spmem:s3], $0x80, s31, s12, $0xb8;
	[tilespmem:$0x16480] =	vst v63  }
0x20: {  	_ =	swait.ge [sflag:s17], $0x4000  }
0x21: {  	[sflag:s17] =	ssyncset.done $0x0  }
0x22: {  	[sflag:s17] =	ssyncadd.s32 $0xFFFFC000  }
0x23: {  	_ =	swait.ge [sflag:s17], $0x4000  }
0x24: {  	[sflag:s17] =	ssyncset.done $0x0  }
0x25: {  	[sflag:s17] =	ssyncadd.s32 $0xFFFFC000  }
0x26: {  	[hbm4b:s8+s4] =	stream.linear.scatter [tilespmem:s13], [sflag:$0x3], $0x8000, $0x38;
	[tilespmem:$0x16480] =	vst v63  }
0x27: {  	_ =	swait.ge [sflag:s9], $0x8000  }
0x28: {  	[sflag:s9] =	ssyncset.done $0x0  }
0x29: {  	[sflag:s9] =	ssyncadd.s32 $0xFFFF8000  }
0x2a: {  	_ =	swait.ge [sflag:s18], $0x4000  }
0x2b: {  	[sflag:s18] =	ssyncset.done $0x0  }
0x2c: {  	[sflag:s18] =	ssyncadd.s32 $0xFFFFC000  }
0x2d: {  	_ =	swait.ge [sflag:s18], $0x4000  }
0x2e: {  	[sflag:s18] =	ssyncset.done $0x0  }
0x2f: {  	[sflag:s18] =	ssyncadd.s32 $0xFFFFC000  }
0x30: {  	[hbm4b:s7+s4] =	stream.linear.scatter [tilespmem:s15], [sflag:$0x3], $0x8000, $0x38;
	[tilespmem:$0x16480] =	vst v63  }
0x31: {  	s22 =	simm.s32 $0x800;
	s23 =	simm.s32 $0x1000;
	_ =	swait.ge [sflag:s9], $0x8000  }
0x32: {  	s21 =	sadd.s32 $0x2000, s8;
	s20 =	sadd.s32 $0x2000, s7;
	[sflag:s9] =	ssyncset.done $0x0  }
.LBB2_2:
0x33: {  	s24 =	sshra.s32 s22, $0x2  }
0x34: {  	[sflag:s9] =	ssyncadd.s32 $0xFFFF8000;
	s22 =	smov.u32 s23;
	s25 =	sadd.s32 $0x800, s23  }
0x35: {  	[tilespmem:s13], [sflag:$0x1] =	stream.indirect.gather [spmem:s3], $0x80, s24, s12, $0xb8;
	[tilespmem:$0x16480] =	vst v63  }
0x36: {  	p0 =	sne.s32 s23, $0x18800;
	s23 =	sadd.s32 $0x80, s24  }
0x37: {  	[tilespmem:s14], [sflag:$0x1] =	stream.indirect.gather [spmem:s3], $0x80, s23, s12, $0xb8;
	[tilespmem:$0x16480] =	vst v63  }
0x38: {  	s23 =	sadd.s32 $0x100, s24  }
0x39: {  	[tilespmem:s15], [sflag:$0x2] =	stream.indirect.gather [spmem:s3], $0x80, s23, s12, $0xb8;
	[tilespmem:$0x16480] =	vst v63  }
0x3a: {  	s23 =	sadd.s32 $0x180, s24  }
0x3b: {  	[tilespmem:s16], [sflag:$0x2] =	stream.indirect.gather [spmem:s3], $0x80, s23, s12, $0xb8;
	[tilespmem:$0x16480] =	vst v63  }
0x3c: {  	_ =	swait.ge [sflag:s17], $0x4000  }
0x3d: {  	[sflag:s17] =	ssyncset.done $0x0  }
0x3e: {  	[sflag:s17] =	ssyncadd.s32 $0xFFFFC000  }
0x3f: {  	_ =	swait.ge [sflag:s17], $0x4000  }
0x40: {  	[sflag:s17] =	ssyncset.done $0x0  }
0x41: {  	[sflag:s17] =	ssyncadd.s32 $0xFFFFC000  }
0x42: {  	[hbm4b:s21+s4] =	stream.linear.scatter [tilespmem:s13], [sflag:$0x3], $0x8000, $0x38;
	[tilespmem:$0x16480] =	vst v63  }
0x43: {  	_ =	swait.ge [sflag:s9], $0x8000  }
0x44: {  	[sflag:s9] =	ssyncset.done $0x0  }
0x45: {  	[sflag:s9] =	ssyncadd.s32 $0xFFFF8000  }
0x46: {  	_ =	swait.ge [sflag:s18], $0x4000  }
0x47: {  	[sflag:s18] =	ssyncset.done $0x0  }
0x48: {  	[sflag:s18] =	ssyncadd.s32 $0xFFFFC000  }
0x49: {  	_ =	swait.ge [sflag:s18], $0x4000  }
.Ltmp0:
0x4a: {  	[sflag:s18] =	ssyncset.done $0x0;
	(pc) =	sbr.rel @p0 .LBB2_2-.Ltmp0, $4  }
0x4b: {  	[sflag:s18] =	ssyncadd.s32 $0xFFFFC000  }
0x4c: {  	[hbm4b:s20+s4] =	stream.linear.scatter [tilespmem:s15], [sflag:$0x3], $0x8000, $0x38;
	[tilespmem:$0x16480] =	vst v63  }
0x4d: {  	s23 =	smov.u32 s25;
	_ =	swait.ge [sflag:s9], $0x8000  }
0x4e: {  	s21 =	sadd.s32 $0x2000, s21;
	s20 =	sadd.s32 $0x2000, s20;
	[sflag:s9] =	ssyncset.done $0x0  }
0x4f: {  	s22 =	sshra.s32 s22, $0x2;
	[sflag:s9] =	ssyncadd.s32 $0xFFFF8000  }
0x50: {  	[tilespmem:s13], [sflag:$0x1] =	stream.indirect.gather [spmem:s3], $0x80, s22, s12, $0xb8;
	[tilespmem:$0x16480] =	vst v63  }
0x51: {  	s23 =	sadd.s32 $0x80, s22  }
0x52: {  	[tilespmem:s14], [sflag:$0x1] =	stream.indirect.gather [spmem:s3], $0x80, s23, s12, $0xb8;
	[tilespmem:$0x16480] =	vst v63  }
0x53: {  	s31 =	sadd.s32 $0x100, s22  }
0x54: {  	[tilespmem:s15], [sflag:$0x2] =	stream.indirect.gather [spmem:s3], $0x80, s31, s12, $0xb8;
	[tilespmem:$0x16480] =	vst v63  }
0x55: {  	s22 =	sadd.s32 $0x180, s22  }
0x56: {  	[tilespmem:s16], [sflag:$0x2] =	stream.indirect.gather [spmem:s3], $0x80, s22, s12, $0xb8;
	[tilespmem:$0x16480] =	vst v63  }
0x57: {  	_ =	swait.ge [sflag:s17], $0x4000  }
0x58: {  	[sflag:s17] =	ssyncset.done $0x0  }
0x59: {  	[sflag:s17] =	ssyncadd.s32 $0xFFFFC000  }
0x5a: {  	_ =	swait.ge [sflag:s17], $0x4000  }
0x5b: {  	[sflag:s17] =	ssyncset.done $0x0  }
0x5c: {  	[sflag:s17] =	ssyncadd.s32 $0xFFFFC000  }
0x5d: {  	[hbm4b:s21+s4] =	stream.linear.scatter [tilespmem:s13], [sflag:$0x3], $0x8000, $0x38;
	[tilespmem:$0x16480] =	vst v63  }
0x5e: {  	_ =	swait.ge [sflag:s9], $0x8000  }
0x5f: {  	[sflag:s9] =	ssyncset.done $0x0  }
0x60: {  	[sflag:s9] =	ssyncadd.s32 $0xFFFF8000  }
0x61: {  	_ =	swait.ge [sflag:s18], $0x4000  }
0x62: {  	[sflag:s18] =	ssyncset.done $0x0  }
0x63: {  	[sflag:s18] =	ssyncadd.s32 $0xFFFFC000  }
0x64: {  	s19 =	sadd.s32 $0x1, s19;
	_ =	swait.ge [sflag:s18], $0x4000  }
0x65: {  	p0 =	sne.s32 s19, s6;
	[sflag:s18] =	ssyncset.done $0x0  }
.Ltmp1:
0x66: {  	[sflag:s18] =	ssyncadd.s32 $0xFFFFC000;
	(pc) =	sbr.rel @p0 .LBB2_1-.Ltmp1, $4  }
0x67: {  	[hbm4b:s20+s4] =	stream.linear.scatter [tilespmem:s15], [sflag:$0x3], $0x8000, $0x38;
	[tilespmem:$0x16480] =	vst v63  }
0x68: {  	_ =	swait.ge [sflag:s9], $0x8000  }
0x69: {  	[sflag:s9] =	ssyncset.done $0x0  }
0x6a: {  	[sflag:s9] =	ssyncadd.s32 $0xFFFF8000  }
0x6b: {  	_ =	sfence.sel $0x180000  }
0x6c: {  	[bflag:$0x0] =	sbarrier.arrive $0xFFFF  }
0x6d: {  	p0 =	sne.s32 s0, $0x0;
	_ =	strace $0x90000047  }
0x6e: {  	s0 =	sadd.s32 @!p0 $0x100000, s2;
	[bflag:$0x2] =	sbarrier.arrive $0xFFFF  }
0x6f: {  	[sflag:s0] =	ssyncadd.tile.s32 @!p0 $0x1;
	_ =	shalt  }
.Lfunc_end2:
_tile_overlayer_lowered:
.L_overlay_start_2:
0x70: {  	(tag) =	ssettag $0x2  }
0x71: {  	s0 =	rddreg [dreg:$0x0];
	s2 =	stileid.u32  }
0x72: {  	s1 =	rddreg [dreg:$0x1];
	p0 =	sne.s32 s2, $0x0  }
0x73: {  	s3 =	rddreg [dreg:$0x2];
	[bflag:$0x3] =	sbarrier.arrive $0xFFFF;
	s2 =	simm.s32 @!p0 $0x1C03  }
0x74: {  	[timem:s3], [sflag:s2] =	dma.local @!p0 [hbm:s0], s1  }
0x75: {  	s0 =	simm.s32 @!p0 $0x3  }
0x76: {  	_ =	swait.ge @!p0 [sflag:s0], s1  }
0x77: {  	s1 =	ssub.s32 @!p0 $0x0, s1;
	[sflag:s0] =	ssyncset.done @!p0 $0x0  }
0x78: {  	[sflag:s0] =	ssyncadd.s32 @!p0 s1  }
0x79: {  	[bflag:$0x3] =	sbarrier.arrive $0xFFFF  }
0x7a: {  	_ =	shalt  }

</sc_bundles>
